<compile_context>
chip_gen: v7x
topology: tpu7x:2x2x1
jax: 0.10.2.dev20260603
libtpu: 0.0.44.dev20260713+nightly
codegen_flags: <defaults>
</compile_context>

<pallas_src>
import functools

import jax
import jax.numpy as jnp
from jax import lax
from jax.experimental import pallas as pl
from jax.experimental.pallas import tpu as pltpu
from jax.experimental.pallas import tpu_sc as plsc

N = 10000
E = 320000
D = 128
H = 256
L = 3

W = 80
NCHUNK = E // W
NSC = 16
EB = 4000
NB = 2000

_mesh = plsc.VectorSubcoreMesh(core_axis_name="core", subcore_axis_name="subcore",
                               num_cores=2, num_subcores=NSC)



@jax.jit
def _sc_gather(v, idx2):

  @pl.kernel(
      out_type=jax.ShapeDtypeStruct((2 * E, D), jnp.float32),
      mesh=_mesh,
  )
  def k(v_hbm, i_hbm, o_hbm):
    def body(i_vmem, o_vmem):
      pltpu.sync_copy(v_hbm.at[i_vmem.at[0]], o_vmem)

    pltpu.emit_pipeline(
        body,
        grid=(2 * NCHUNK,),
        in_specs=[pl.BlockSpec((1, W), lambda i: (i, 0))],
        out_specs=[pl.BlockSpec((W, D), lambda i: (i, 0))],
        core_axis_name=("core", "subcore"),
        dimension_semantics=(pltpu.PARALLEL,),
    )(i_hbm, o_hbm)

  return k(v, idx2)


@jax.jit
def _sc_scatter_add(de, dst2, zeros_nd):
  @pl.kernel(
      out_type=jax.ShapeDtypeStruct((2, N, D), jnp.float32),
      mesh=_mesh,
      scratch_types=[pltpu.VMEM_SHARED((N, D), jnp.float32)],
  )
  def k(de_hbm, i_hbm, z_hbm, o_hbm, acc):
    c = lax.axis_index("core")
    s = lax.axis_index("subcore")

    def _each_slice(fn):
      @pl.when(s < NSC - 1)
      def _():
        fn(pl.ds(s * 624, 624))

      @pl.when(s == NSC - 1)
      def _():
        fn(pl.ds((NSC - 1) * 624, N - (NSC - 1) * 624))

    _each_slice(lambda sl: pltpu.sync_copy(z_hbm.at[sl], acc.at[sl]))
    plsc.subcore_barrier()

    def body(de_vmem, i_vmem):
      pltpu.sync_copy(de_vmem, acc.at[i_vmem.at[0]], add=True)

    pltpu.emit_pipeline(
        body,
        grid=(NCHUNK,),
        in_specs=[pl.BlockSpec((W, D), lambda i: (i, 0)),
                  pl.BlockSpec((1, W), lambda i: (i, 0))],
        out_specs=[],
        core_axis_name=("core", "subcore"),
        dimension_semantics=(pltpu.PARALLEL,),
    )(de_hbm, i_hbm)

    plsc.subcore_barrier()
    _each_slice(lambda sl: pltpu.sync_copy(acc.at[sl], o_hbm.at[c].at[sl]))

  return k(de, dst2, zeros_nd)



def _edge_body(gs_ref, gd_ref, e_ref, w1_ref, b1_ref, w2_ref, b2_ref,
               de_ref, enew_ref):
  x = jnp.concatenate([gs_ref[...], gd_ref[...], e_ref[...]],
                      axis=1).astype(jnp.bfloat16)
  h = jnp.maximum(
      jnp.dot(x, w1_ref[...], preferred_element_type=jnp.float32)
      + b1_ref[...], 0.0)
  de = jnp.dot(h, w2_ref[...], preferred_element_type=jnp.float32) + b2_ref[...]
  de_ref[...] = de
  if enew_ref is not None:
    enew_ref[...] = (e_ref[...].astype(jnp.float32) + de).astype(jnp.bfloat16)


@functools.partial(jax.jit, static_argnames=("want_enew",))
def _edge_mlp(g, e, w1, b1, w2, b2, want_enew=True):
  nblk = E // EB
  out_shape = [jax.ShapeDtypeStruct((E, D), jnp.float32)]
  if want_enew:
    out_shape.append(jax.ShapeDtypeStruct((E, D), jnp.bfloat16))
  body = _edge_body if want_enew else (
      lambda gs, gd, e_, w1_, b1_, w2_, b2_, de_: _edge_body(
          gs, gd, e_, w1_, b1_, w2_, b2_, de_, None))
  outs = pl.pallas_call(
      body,
      grid=(nblk,),
      in_specs=[
          pl.BlockSpec((EB, D), lambda i: (i, 0)),
          pl.BlockSpec((EB, D), lambda i: (i + nblk, 0)),
          pl.BlockSpec((EB, D), lambda i: (i, 0)),
          pl.BlockSpec((3 * D, H), lambda i: (0, 0)),
          pl.BlockSpec((1, H), lambda i: (0, 0)),
          pl.BlockSpec((H, D), lambda i: (0, 0)),
          pl.BlockSpec((1, D), lambda i: (0, 0)),
      ],
      out_specs=[pl.BlockSpec((EB, D), lambda i: (i, 0))] * len(out_shape),
      out_shape=out_shape,
  )(g, g, e, w1, b1, w2, b2)
  return outs


def _node_body(v_ref, p_ref, w1_ref, b1_ref, w2_ref, b2_ref, dv_ref, vnew_ref):
  agg = p_ref[0].astype(jnp.float32) + p_ref[1].astype(jnp.float32)
  x = jnp.concatenate([v_ref[...], agg], axis=1)
  h = jnp.maximum(
      jnp.dot(x, w1_ref[...], preferred_element_type=jnp.float32)
      + b1_ref[...], 0.0)
  dv = jnp.dot(h, w2_ref[...], preferred_element_type=jnp.float32) + b2_ref[...]
  dv_ref[...] = dv
  if vnew_ref is not None:
    vnew_ref[...] = v_ref[...] + dv


@functools.partial(jax.jit, static_argnames=("want_vnew",))
def _node_mlp(v, p, w1, b1, w2, b2, want_vnew=True):
  nblk = N // NB
  out_shape = [jax.ShapeDtypeStruct((N, D), jnp.float32)]
  if want_vnew:
    out_shape.append(jax.ShapeDtypeStruct((N, D), jnp.float32))
  body = _node_body if want_vnew else (
      lambda v_, p_, w1_, b1_, w2_, b2_, dv_: _node_body(
          v_, p_, w1_, b1_, w2_, b2_, dv_, None))
  outs = pl.pallas_call(
      body,
      grid=(nblk,),
      in_specs=[
          pl.BlockSpec((NB, D), lambda i: (i, 0)),
          pl.BlockSpec((2, NB, D), lambda i: (0, i, 0)),
          pl.BlockSpec((2 * D, H), lambda i: (0, 0)),
          pl.BlockSpec((1, H), lambda i: (0, 0)),
          pl.BlockSpec((H, D), lambda i: (0, 0)),
          pl.BlockSpec((1, D), lambda i: (0, 0)),
      ],
      out_specs=[pl.BlockSpec((NB, D), lambda i: (i, 0))] * len(out_shape),
      out_shape=out_shape,
  )(v, p, w1, b1, w2, b2)
  return outs



def kernel(node_embeddings, edge_embeddings, edge_index, batch,
           We1, be1, We2, be2, Wv1, bv1, Wv2, bv2):
  del batch
  src = edge_index[0]
  dst = edge_index[1]
  idx2 = jnp.concatenate([src, dst]).reshape(2 * NCHUNK, W)
  dst2 = dst.reshape(NCHUNK, W)
  zeros_nd = jnp.zeros((N, D), jnp.float32)

  v = node_embeddings
  e = edge_embeddings
  for i in range(L):
    last = i == L - 1
    g = _sc_gather(v, idx2)
    eouts = _edge_mlp(g, e, We1[i].astype(jnp.bfloat16), be1[i].reshape(1, H),
                      We2[i], be2[i].reshape(1, D), want_enew=not last)
    de = eouts[0]
    p = _sc_scatter_add(de, dst2, zeros_nd)
    nouts = _node_mlp(v, p, Wv1[i], bv1[i].reshape(1, H),
                      Wv2[i], bv2[i].reshape(1, D), want_vnew=not last)
    dv = nouts[0]
    if last:
      return (dv, de)
    e = eouts[1]
    v = nouts[1]

# --- scband reference (transcript-rebuilt; emitter-appended) ---
"""Pipeline reference for scband-multi-layer-gnn-7413113553138 (READ-ONLY COPY).

The authoritative reference and input builder live on the scoring server;
editing this copy changes nothing except your own understanding.
"""

import jax, jax.numpy as jnp
import numpy as np

N = 10000
E = 320000
D = 128   # latent_size
H = 256   # n_hidden
L = 3     # n_layers


def setup_inputs(seed: int = 0) -> dict:
    key = jax.random.key(seed)
    ks = jax.random.split(key, 16)
    node_embeddings = jax.random.normal(ks[0], (N, D), dtype=jnp.float32)
    edge_embeddings = jax.random.normal(ks[1], (E, D), dtype=jnp.float32)
    edge_index = jax.random.randint(ks[2], (2, E), 0, N, dtype=jnp.int32)
    batch = jnp.sort(jax.random.randint(ks[3], (N,), 0, 16, dtype=jnp.int32))
    s = 0.05
    # Per-layer params stacked along leading n_layers dim.
    We1 = jax.random.normal(ks[4], (L, 3 * D, H), dtype=jnp.float32) * s
    be1 = jnp.zeros((L, H), dtype=jnp.float32)
    We2 = jax.random.normal(ks[5], (L, H, D), dtype=jnp.float32) * s
    be2 = jnp.zeros((L, D), dtype=jnp.float32)
    Wv1 = jax.random.normal(ks[6], (L, 2 * D, H), dtype=jnp.float32) * s
    bv1 = jnp.zeros((L, H), dtype=jnp.float32)
    Wv2 = jax.random.normal(ks[7], (L, H, D), dtype=jnp.float32) * s
    bv2 = jnp.zeros((L, D), dtype=jnp.float32)
    return {
        "node_embeddings": node_embeddings,
        "edge_embeddings": edge_embeddings,
        "edge_index": edge_index,
        "batch": batch,
        "We1": We1, "be1": be1, "We2": We2, "be2": be2,
        "Wv1": Wv1, "bv1": bv1, "Wv2": Wv2, "bv2": bv2,
    }


def reference(node_embeddings, edge_embeddings, edge_index, batch,
              We1, be1, We2, be2, Wv1, bv1, Wv2, bv2):
    src = edge_index[0]
    dst = edge_index[1]
    n_nodes = node_embeddings.shape[0]

    def gnn_layer(v, e, i):
        # Edge update: MLP over [v_src, v_dst, e]
        edge_in = jnp.concatenate([v[src], v[dst], e], axis=-1)
        h = jax.nn.relu(edge_in @ We1[i] + be1[i])
        delta_e = h @ We2[i] + be2[i]
        # Aggregate updated edge messages at destination nodes (scatter-add)
        agg = jax.ops.segment_sum(delta_e, dst, num_segments=n_nodes)
        # Node update: MLP over [v, agg]
        node_in = jnp.concatenate([v, agg], axis=-1)
        h2 = jax.nn.relu(node_in @ Wv1[i] + bv1[i])
        delta_v = h2 @ Wv2[i] + bv2[i]
        return delta_v, delta_e

    v = node_embeddings
    e = edge_embeddings
    for i in range(L - 1):
        dv, de = gnn_layer(v, e, i)
        v = v + dv
        e = e + de
    dv, de = gnn_layer(v, e, L - 1)
    return (dv, de)

if __name__ == "__main__":
    import jax
    _d = setup_inputs()
    print(jax.jit(kernel)(*tuple(_d.values())))

</pallas_src>

<mosaic_0001>
#map = affine_map<(d0, d1) -> (0, 0)>
module attributes {stable_mosaic.version = 14 : i64} {
  func.func @k(%arg0: i32, %arg1: i32, %arg2: memref<10000x128xf32, #tpu.memory_space<hbm>>, %arg3: memref<8000x80xi32, #tpu.memory_space<hbm>>, %arg4: memref<640000x128xf32, #tpu.memory_space<hbm>>) attributes {dimension_semantics = [#tpu.dimension_semantics<core_parallel>, #tpu.dimension_semantics<subcore_parallel>], iteration_bounds = array<i64: 2, 16>, scalar_prefetch = 0 : i64, scratch_operands = 0 : i64, tpu.core_type = #tpu.core_type<sc_vector_subcore>, window_params = [{transform_indices = #map}, {transform_indices = #map}, {transform_indices = #map}]} {
    %mul3A = arith.constant 1 : i32
    %mul3A_0 = arith.muli %arg1, %mul3A : i32
    %add3A = arith.constant 0 : i32
    %add3A_1 = arith.addi %add3A, %mul3A_0 : i32
    %mul3A_2 = arith.constant 16 : i32
    %mul3A_3 = arith.muli %arg0, %mul3A_2 : i32
    %add3A_4 = arith.addi %add3A_1, %mul3A_3 : i32
    %mul3A_5 = arith.constant 250 : i32
    %mul3A_6 = arith.muli %add3A_4, %mul3A_5 : i32
    "tpu.region"() ({
      %run_scoped3A = memref.alloca() : memref<2x1x80xi32, #tpu.memory_space<vmem>>
      %run_scoped3A_7 = tpu.sem_alloc : memref<2x!tpu.dma_semaphore, #tpu.memory_space<semaphore_mem>>
      %run_scoped3A_8 = memref.alloca() : memref<2x80x128xf32, #tpu.memory_space<vmem>>
      %run_scoped3A_9 = tpu.sem_alloc : memref<2x!tpu.dma_semaphore, #tpu.memory_space<semaphore_mem>>
      %add3A_10 = arith.constant 0 : i32
      %add3A_11 = arith.addi %add3A_10, %mul3A_6 : i32
      %select_n3A = arith.constant true
      %select_n3A_12 = arith.constant 0 : i32
      %select_n3A_13 = arith.constant -1 : i32
      %select_n3A_14 = arith.select %select_n3A, %select_n3A_13, %select_n3A_12 : i32
      %eq3A = arith.constant -1 : i32
      %eq3A_15 = arith.cmpi eq, %select_n3A_14, %eq3A : i32
      %select_n3A_16 = arith.constant 249 : i32
      %select_n3A_17 = arith.select %eq3A_15, %select_n3A_16, %select_n3A_14 : i32
      %add3A_18 = arith.addi %select_n3A_17, %mul3A_6 : i32
      %select_n3A_19 = arith.constant true
      %select_n3A_20 = arith.constant 0 : i32
      %select_n3A_21 = arith.constant 1 : i32
      %select_n3A_22 = arith.select %select_n3A_19, %select_n3A_21, %select_n3A_20 : i32
      %eq3A_23 = arith.constant 250 : i32
      %eq3A_24 = arith.cmpi eq, %select_n3A_22, %eq3A_23 : i32
      %select_n3A_25 = arith.constant 0 : i32
      %select_n3A_26 = arith.select %eq3A_24, %select_n3A_25, %select_n3A_22 : i32
      %add3A_27 = arith.addi %select_n3A_26, %mul3A_6 : i32
      %add3A_28 = arith.constant 1 : i32
      %add3A_29 = arith.addi %select_n3A_26, %add3A_28 : i32
      %select_n3A_30 = arith.constant true
      %select_n3A_31 = arith.select %select_n3A_30, %add3A_29, %select_n3A_26 : i32
      %eq3A_32 = arith.constant 250 : i32
      %eq3A_33 = arith.cmpi eq, %select_n3A_31, %eq3A_32 : i32
      %select_n3A_34 = arith.constant 0 : i32
      %select_n3A_35 = arith.select %eq3A_33, %select_n3A_34, %select_n3A_31 : i32
      %add3A_36 = arith.addi %select_n3A_35, %mul3A_6 : i32
      "tpu.trace_start"() <{level = 10 : i32, message = "ep_initialize_0"}> : () -> ()
      %rem3A = arith.constant 0 : i32
      %rem3A_37 = arith.constant 2 : i32
      %rem3A_38 = arith.remui %rem3A, %rem3A_37 : i32
      %mul3A_39 = arith.constant 1 : i32
      %mul3A_40 = arith.muli %mul3A_39, %add3A_11 : i32
      %dma_start3A = arith.constant 0 : i32
      %dma_start3A_41 = arith.constant 0 : i32
      %dma_start3A_42 = tpu.memref_slice %run_scoped3A[%rem3A_38, %dma_start3A, %dma_start3A_41] : memref<2x1x80xi32, #tpu.memory_space<vmem>> -> memref<1x1x80xi32, #tpu.memory_space<vmem>>
      %dma_start3A_43 = tpu.memref_squeeze %dma_start3A_42 : memref<1x1x80xi32, #tpu.memory_space<vmem>> -> memref<1x80xi32, #tpu.memory_space<vmem>>
      %dma_start3A_44 = arith.constant 0 : i32
      %dma_start3A_45 = tpu.memref_slice %arg3[%mul3A_40, %dma_start3A_44] : memref<8000x80xi32, #tpu.memory_space<hbm>> -> memref<1x80xi32, #tpu.memory_space<hbm>>
      %dma_start3A_46 = tpu.memref_slice %run_scoped3A_7[%rem3A_38] : memref<2x!tpu.dma_semaphore, #tpu.memory_space<semaphore_mem>> -> memref<1x!tpu.dma_semaphore, #tpu.memory_space<semaphore_mem>>
      %dma_start3A_47 = tpu.memref_squeeze %dma_start3A_46 : memref<1x!tpu.dma_semaphore, #tpu.memory_space<semaphore_mem>> -> memref<!tpu.dma_semaphore, #tpu.memory_space<semaphore_mem>>
      %dma_start3A_48 = arith.constant 0 : i32
      %dma_start3A_49 = arith.constant 0 : i32
      %dma_start3A_50 = tpu.memref_slice %run_scoped3A[%rem3A_38, %dma_start3A_48, %dma_start3A_49] : memref<2x1x80xi32, #tpu.memory_space<vmem>> -> memref<1x1x80xi32, #tpu.memory_space<vmem>>
      %dma_start3A_51 = tpu.memref_squeeze %dma_start3A_50 : memref<1x1x80xi32, #tpu.memory_space<vmem>> -> memref<1x80xi32, #tpu.memory_space<vmem>>
      %dma_start3A_52 = arith.constant 0 : i32
      %dma_start3A_53 = tpu.memref_slice %arg3[%mul3A_40, %dma_start3A_52] : memref<8000x80xi32, #tpu.memory_space<hbm>> -> memref<1x80xi32, #tpu.memory_space<hbm>>
      tpu.enqueue_dma source(%dma_start3A_53 : memref<1x80xi32, #tpu.memory_space<hbm>>) target(%dma_start3A_51 : memref<1x80xi32, #tpu.memory_space<vmem>>) target_semaphore(%dma_start3A_47 : memref<!tpu.dma_semaphore, #tpu.memory_space<semaphore_mem>>)
      %add3A_54 = arith.constant 0 : i32
      %add3A_55 = arith.constant 1 : i32
      %add3A_56 = arith.addi %add3A_54, %add3A_55 : i32
      %select_n3A_57 = arith.constant true
      %select_n3A_58 = arith.constant 0 : i32
      %select_n3A_59 = arith.select %select_n3A_57, %add3A_56, %select_n3A_58 : i32
      "tpu.trace_stop"() : () -> ()
      %scan3A = arith.constant 0 : i32
      %scan3A_60 = arith.constant 0 : i32
      %scan3A_61 = arith.constant 0 : i32
      %scan3A_62 = arith.constant 0 : i32
      %scan3A_63 = arith.constant 0 : i32
      %scan3A_64 = arith.constant 250 : i32
      %scan3A_65 = arith.addi %scan3A_63, %scan3A_64 : i32
      %scan3A_66 = arith.constant 1 : i32
      %scan3A_67:5 = scf.for %scan3A_121 = %scan3A_63 to %scan3A_65 step %scan3A_66 iter_args(%scan3A_122 = %select_n3A_59, %scan3A_123 = %scan3A, %scan3A_124 = %scan3A_60, %scan3A_125 = %scan3A_61, %scan3A_126 = %scan3A_62) -> (i32, i32, i32, i32, i32)  : i32 {
        %eq3A_127 = arith.constant 0 : i32
        %eq3A_128 = arith.cmpi eq, %scan3A_121, %eq3A_127 : i32
        %eq3A_129 = arith.constant 249 : i32
        %eq3A_130 = arith.cmpi eq, %scan3A_121, %eq3A_129 : i32
        %add3A_131 = arith.addi %scan3A_126, %mul3A_6 : i32
        %sub3A_132 = arith.constant 1 : i32
        %sub3A_133 = arith.subi %scan3A_126, %sub3A_132 : i32
        %select_n3A_134 = arith.constant true
        %select_n3A_135 = arith.select %select_n3A_134, %sub3A_133, %scan3A_126 : i32
        %eq3A_136 = arith.constant -1 : i32
        %eq3A_137 = arith.cmpi eq, %select_n3A_135, %eq3A_136 : i32
        %select_n3A_138 = arith.constant 249 : i32
        %select_n3A_139 = arith.select %eq3A_137, %select_n3A_138, %select_n3A_135 : i32
        %add3A_140 = arith.addi %select_n3A_139, %mul3A_6 : i32
        %add3A_141 = arith.constant 1 : i32
        %add3A_142 = arith.addi %scan3A_126, %add3A_141 : i32
        %select_n3A_143 = arith.constant true
        %select_n3A_144 = arith.select %select_n3A_143, %add3A_142, %scan3A_126 : i32
        %eq3A_145 = arith.constant 250 : i32
        %eq3A_146 = arith.cmpi eq, %select_n3A_144, %eq3A_145 : i32
        %select_n3A_147 = arith.constant 0 : i32
        %select_n3A_148 = arith.select %eq3A_146, %select_n3A_147, %select_n3A_144 : i32
        %add3A_149 = arith.addi %select_n3A_148, %mul3A_6 : i32
        %add3A_150 = arith.constant 1 : i32
        %add3A_151 = arith.addi %select_n3A_148, %add3A_150 : i32
        %select_n3A_152 = arith.constant true
        %select_n3A_153 = arith.select %select_n3A_152, %add3A_151, %select_n3A_148 : i32
        %eq3A_154 = arith.constant 250 : i32
        %eq3A_155 = arith.cmpi eq, %select_n3A_153, %eq3A_154 : i32
        %select_n3A_156 = arith.constant 0 : i32
        %select_n3A_157 = arith.select %eq3A_155, %select_n3A_156, %select_n3A_153 : i32
        %add3A_158 = arith.addi %select_n3A_157, %mul3A_6 : i32
        %ne3A = arith.cmpi ne, %add3A_131, %add3A_149 : i32
        %or3A = arith.constant false
        %or3A_159 = arith.ori %or3A, %ne3A : i1
        %or3A_160 = arith.constant false
        %or3A_161 = arith.ori %or3A_159, %or3A_160 : i1
        %ge3A = arith.constant 249 : i32
        %ge3A_162 = arith.cmpi sge, %scan3A_121, %ge3A : i32
        %not3A = arith.constant true
        %not3A_163 = arith.xori %ge3A_162, %not3A : i1
        %and3A = arith.andi %or3A_161, %not3A_163 : i1
        %convert_element_type3A = arith.extui %and3A : i1 to i32
        %cond3A = arith.constant 0 : i32
        %cond3A_164 = arith.cmpi ne, %convert_element_type3A, %cond3A : i32
        scf.if %cond3A_164 {
          "tpu.trace_start"() <{level = 10 : i32, message = "ep_copy_in"}> : () -> ()
          %rem3A_274 = arith.constant 2 : i32
          %rem3A_275 = arith.remui %scan3A_122, %rem3A_274 : i32
          %mul3A_276 = arith.constant 1 : i32
          %mul3A_277 = arith.muli %mul3A_276, %add3A_149 : i32
          %dma_start3A_278 = arith.constant 0 : i32
          %dma_start3A_279 = arith.constant 0 : i32
          %dma_start3A_280 = tpu.memref_slice %run_scoped3A[%rem3A_275, %dma_start3A_278, %dma_start3A_279] : memref<2x1x80xi32, #tpu.memory_space<vmem>> -> memref<1x1x80xi32, #tpu.memory_space<vmem>>
          %dma_start3A_281 = tpu.memref_squeeze %dma_start3A_280 : memref<1x1x80xi32, #tpu.memory_space<vmem>> -> memref<1x80xi32, #tpu.memory_space<vmem>>
          %dma_start3A_282 = arith.constant 0 : i32
          %dma_start3A_283 = tpu.memref_slice %arg3[%mul3A_277, %dma_start3A_282] : memref<8000x80xi32, #tpu.memory_space<hbm>> -> memref<1x80xi32, #tpu.memory_space<hbm>>
          %dma_start3A_284 = tpu.memref_slice %run_scoped3A_7[%rem3A_275] : memref<2x!tpu.dma_semaphore, #tpu.memory_space<semaphore_mem>> -> memref<1x!tpu.dma_semaphore, #tpu.memory_space<semaphore_mem>>
          %dma_start3A_285 = tpu.memref_squeeze %dma_start3A_284 : memref<1x!tpu.dma_semaphore, #tpu.memory_space<semaphore_mem>> -> memref<!tpu.dma_semaphore, #tpu.memory_space<semaphore_mem>>
          %dma_start3A_286 = arith.constant 0 : i32
          %dma_start3A_287 = arith.constant 0 : i32
          %dma_start3A_288 = tpu.memref_slice %run_scoped3A[%rem3A_275, %dma_start3A_286, %dma_start3A_287] : memref<2x1x80xi32, #tpu.memory_space<vmem>> -> memref<1x1x80xi32, #tpu.memory_space<vmem>>
          %dma_start3A_289 = tpu.memref_squeeze %dma_start3A_288 : memref<1x1x80xi32, #tpu.memory_space<vmem>> -> memref<1x80xi32, #tpu.memory_space<vmem>>
          %dma_start3A_290 = arith.constant 0 : i32
          %dma_start3A_291 = tpu.memref_slice %arg3[%mul3A_277, %dma_start3A_290] : memref<8000x80xi32, #tpu.memory_space<hbm>> -> memref<1x80xi32, #tpu.memory_space<hbm>>
          tpu.enqueue_dma source(%dma_start3A_291 : memref<1x80xi32, #tpu.memory_space<hbm>>) target(%dma_start3A_289 : memref<1x80xi32, #tpu.memory_space<vmem>>) target_semaphore(%dma_start3A_285 : memref<!tpu.dma_semaphore, #tpu.memory_space<semaphore_mem>>)
          "tpu.trace_stop"() : () -> ()
        } else {
        }
        %and3A_165 = arith.constant true
        %and3A_166 = arith.andi %and3A, %and3A_165 : i1
        %add3A_167 = arith.constant 1 : i32
        %add3A_168 = arith.addi %scan3A_122, %add3A_167 : i32
        %select_n3A_169 = arith.select %and3A_166, %add3A_168, %scan3A_122 : i32
        %ne3A_170 = arith.cmpi ne, %add3A_131, %add3A_149 : i32
        %or3A_171 = arith.constant false
        %or3A_172 = arith.ori %or3A_171, %ne3A_170 : i1
        %or3A_173 = arith.constant false
        %or3A_174 = arith.ori %or3A_172, %or3A_173 : i1
        %ge3A_175 = arith.constant 249 : i32
        %ge3A_176 = arith.cmpi sge, %scan3A_121, %ge3A_175 : i32
        %not3A_177 = arith.constant true
        %not3A_178 = arith.xori %ge3A_176, %not3A_177 : i1
        %and3A_179 = arith.andi %or3A_174, %not3A_178 : i1
        %ne3A_180 = arith.cmpi ne, %add3A_131, %add3A_140 : i32
        %or3A_181 = arith.constant false
        %or3A_182 = arith.ori %or3A_181, %ne3A_180 : i1
        %or3A_183 = arith.constant false
        %or3A_184 = arith.ori %or3A_182, %or3A_183 : i1
        %or3A_185 = arith.ori %or3A_184, %eq3A_128 : i1
        %convert_element_type3A_186 = arith.extui %or3A_185 : i1 to i32
        %cond3A_187 = arith.constant 0 : i32
        %cond3A_188 = arith.cmpi ne, %convert_element_type3A_186, %cond3A_187 : i32
        scf.if %cond3A_188 {
          "tpu.trace_start"() <{level = 10 : i32, message = "ep_wait_in"}> : () -> ()
          %mul3A_274 = arith.constant 1 : i32
          %mul3A_275 = arith.muli %mul3A_274, %add3A_131 : i32
          %rem3A_276 = arith.constant 2 : i32
          %rem3A_277 = arith.remui %scan3A_123, %rem3A_276 : i32
          %dma_wait3A_278 = arith.constant 0 : i32
          %dma_wait3A_279 = arith.constant 0 : i32
          %dma_wait3A_280 = tpu.memref_slice %run_scoped3A[%rem3A_277, %dma_wait3A_278, %dma_wait3A_279] : memref<2x1x80xi32, #tpu.memory_space<vmem>> -> memref<1x1x80xi32, #tpu.memory_space<vmem>>
          %dma_wait3A_281 = tpu.memref_squeeze %dma_wait3A_280 : memref<1x1x80xi32, #tpu.memory_space<vmem>> -> memref<1x80xi32, #tpu.memory_space<vmem>>
          %dma_wait3A_282 = arith.constant 0 : i32
          %dma_wait3A_283 = tpu.memref_slice %arg3[%mul3A_275, %dma_wait3A_282] : memref<8000x80xi32, #tpu.memory_space<hbm>> -> memref<1x80xi32, #tpu.memory_space<hbm>>
          %dma_wait3A_284 = tpu.memref_slice %run_scoped3A_7[%rem3A_277] : memref<2x!tpu.dma_semaphore, #tpu.memory_space<semaphore_mem>> -> memref<1x!tpu.dma_semaphore, #tpu.memory_space<semaphore_mem>>
          %dma_wait3A_285 = tpu.memref_squeeze %dma_wait3A_284 : memref<1x!tpu.dma_semaphore, #tpu.memory_space<semaphore_mem>> -> memref<!tpu.dma_semaphore, #tpu.memory_space<semaphore_mem>>
          %dma_wait3A_286 = arith.constant 0 : i32
          %dma_wait3A_287 = arith.constant 0 : i32
          %dma_wait3A_288 = tpu.memref_slice %run_scoped3A[%rem3A_277, %dma_wait3A_286, %dma_wait3A_287] : memref<2x1x80xi32, #tpu.memory_space<vmem>> -> memref<1x1x80xi32, #tpu.memory_space<vmem>>
          %dma_wait3A_289 = tpu.memref_squeeze %dma_wait3A_288 : memref<1x1x80xi32, #tpu.memory_space<vmem>> -> memref<1x80xi32, #tpu.memory_space<vmem>>
          %dma_wait3A_290 = arith.constant 0 : i32
          %dma_wait3A_291 = tpu.memref_slice %arg3[%mul3A_275, %dma_wait3A_290] : memref<8000x80xi32, #tpu.memory_space<hbm>> -> memref<1x80xi32, #tpu.memory_space<hbm>>
          tpu.wait_dma2 semaphore(%dma_wait3A_285 : memref<!tpu.dma_semaphore, #tpu.memory_space<semaphore_mem>>) src(%dma_wait3A_291 : memref<1x80xi32, #tpu.memory_space<hbm>>) dst(%dma_wait3A_289 : memref<1x80xi32, #tpu.memory_space<vmem>>)
          "tpu.trace_stop"() : () -> ()
        } else {
        }
        %ne3A_189 = arith.cmpi ne, %add3A_131, %add3A_140 : i32
        %or3A_190 = arith.constant false
        %or3A_191 = arith.ori %or3A_190, %ne3A_189 : i1
        %or3A_192 = arith.constant false
        %or3A_193 = arith.ori %or3A_191, %or3A_192 : i1
        %or3A_194 = arith.ori %or3A_193, %eq3A_128 : i1
        %convert_element_type3A_195 = arith.extui %or3A_194 : i1 to i32
        %cond3A_196 = arith.constant 0 : i32
        %cond3A_197 = arith.cmpi ne, %convert_element_type3A_195, %cond3A_196 : i32
        scf.if %cond3A_197 {
        } else {
        }
        %rem3A_198 = arith.constant 2 : i32
        %rem3A_199 = arith.remui %scan3A_123, %rem3A_198 : i32
        %rem3A_200 = arith.constant 2 : i32
        %rem3A_201 = arith.remui %scan3A_124, %rem3A_200 : i32
        %run_scoped3A_202 = arith.constant 0 : i32
        "tpu.trace_start"() <{level = 10 : i32, message = "ep_run_kernel"}> : () -> ()
        "tpu.region"() ({
          %run_scoped3A_274 = tpu.sem_alloc : memref<!tpu.dma_semaphore, #tpu.memory_space<semaphore_mem>>
          %dma_start3A_275 = arith.constant 0 : i32
          %dma_start3A_276 = arith.constant 0 : i32
          %dma_start3A_277 = tpu.memref_slice %run_scoped3A_8[%rem3A_201, %dma_start3A_275, %dma_start3A_276] : memref<2x80x128xf32, #tpu.memory_space<vmem>> -> memref<1x80x128xf32, #tpu.memory_space<vmem>>
          %dma_start3A_278 = tpu.memref_squeeze %dma_start3A_277 : memref<1x80x128xf32, #tpu.memory_space<vmem>> -> memref<80x128xf32, #tpu.memory_space<vmem>>
          %dma_start3A_279 = arith.constant 0 : i32
          %dma_start3A_280 = arith.constant 0 : i32
          %dma_start3A_281 = tpu.memref_slice %run_scoped3A[%rem3A_199, %dma_start3A_279, %dma_start3A_280] : memref<2x1x80xi32, #tpu.memory_space<vmem>> -> memref<1x1x80xi32, #tpu.memory_space<vmem>>
          %dma_start3A_282 = tpu.memref_squeeze %dma_start3A_281 : memref<1x1x80xi32, #tpu.memory_space<vmem>> -> memref<1x80xi32, #tpu.memory_space<vmem>>
          %dma_start3A_283 = arith.constant 0 : i32
          %dma_start3A_284 = tpu.memref_slice %dma_start3A_282[%run_scoped3A_202, %dma_start3A_283] : memref<1x80xi32, #tpu.memory_space<vmem>> -> memref<1x80xi32, #tpu.memory_space<vmem>>
          %dma_start3A_285 = tpu.memref_squeeze %dma_start3A_284 : memref<1x80xi32, #tpu.memory_space<vmem>> -> memref<80xi32, #tpu.memory_space<vmem>>
          %dma_start3A_286 = arith.constant 0 : i32
          %dma_start3A_287 = arith.constant 0 : i32
          %dma_start3A_288 = tpu.memref_slice %arg2[%dma_start3A_286, %dma_start3A_287] : memref<10000x128xf32, #tpu.memory_space<hbm>> -> memref<10000x128xf32, #tpu.memory_space<hbm>>
          tpu.enqueue_indirect_dma source(%dma_start3A_288 : memref<10000x128xf32, #tpu.memory_space<hbm>>) target(%dma_start3A_278 : memref<80x128xf32, #tpu.memory_space<vmem>>) offsets(%dma_start3A_285 : memref<80xi32, #tpu.memory_space<vmem>>) semaphore(%run_scoped3A_274 : memref<!tpu.dma_semaphore, #tpu.memory_space<semaphore_mem>>)
          %dma_wait3A_289 = arith.constant 0 : i32
          %dma_wait3A_290 = arith.constant 0 : i32
          %dma_wait3A_291 = tpu.memref_slice %run_scoped3A_8[%rem3A_201, %dma_wait3A_289, %dma_wait3A_290] : memref<2x80x128xf32, #tpu.memory_space<vmem>> -> memref<1x80x128xf32, #tpu.memory_space<vmem>>
          %dma_wait3A_292 = tpu.memref_squeeze %dma_wait3A_291 : memref<1x80x128xf32, #tpu.memory_space<vmem>> -> memref<80x128xf32, #tpu.memory_space<vmem>>
          %dma_wait3A_293 = arith.constant 0 : i32
          %dma_wait3A_294 = arith.constant 0 : i32
          %dma_wait3A_295 = tpu.memref_slice %run_scoped3A[%rem3A_199, %dma_wait3A_293, %dma_wait3A_294] : memref<2x1x80xi32, #tpu.memory_space<vmem>> -> memref<1x1x80xi32, #tpu.memory_space<vmem>>
          %dma_wait3A_296 = tpu.memref_squeeze %dma_wait3A_295 : memref<1x1x80xi32, #tpu.memory_space<vmem>> -> memref<1x80xi32, #tpu.memory_space<vmem>>
          %dma_wait3A_297 = arith.constant 0 : i32
          %dma_wait3A_298 = tpu.memref_slice %dma_wait3A_296[%run_scoped3A_202, %dma_wait3A_297] : memref<1x80xi32, #tpu.memory_space<vmem>> -> memref<1x80xi32, #tpu.memory_space<vmem>>
          %dma_wait3A_299 = tpu.memref_squeeze %dma_wait3A_298 : memref<1x80xi32, #tpu.memory_space<vmem>> -> memref<80xi32, #tpu.memory_space<vmem>>
          %dma_wait3A_300 = arith.constant 0 : i32
          %dma_wait3A_301 = arith.constant 0 : i32
          %dma_wait3A_302 = tpu.memref_slice %arg2[%dma_wait3A_300, %dma_wait3A_301] : memref<10000x128xf32, #tpu.memory_space<hbm>> -> memref<10000x128xf32, #tpu.memory_space<hbm>>
          tpu.wait_indirect_dma semaphore(%run_scoped3A_274 : memref<!tpu.dma_semaphore, #tpu.memory_space<semaphore_mem>>) src(%dma_wait3A_302 : memref<10000x128xf32, #tpu.memory_space<hbm>>) dst(%dma_wait3A_292 : memref<80x128xf32, #tpu.memory_space<vmem>>)
          tpu.yield
        }) : () -> ()
        "tpu.trace_stop"() : () -> ()
        %ne3A_203 = arith.cmpi ne, %add3A_131, %add3A_149 : i32
        %or3A_204 = arith.constant false
        %or3A_205 = arith.ori %or3A_204, %ne3A_203 : i1
        %or3A_206 = arith.constant false
        %or3A_207 = arith.ori %or3A_205, %or3A_206 : i1
        %or3A_208 = arith.ori %or3A_207, %eq3A_130 : i1
        %convert_element_type3A_209 = arith.extui %or3A_208 : i1 to i32
        %cond3A_210 = arith.constant 0 : i32
        %cond3A_211 = arith.cmpi ne, %convert_element_type3A_209, %cond3A_210 : i32
        scf.if %cond3A_211 {
        } else {
        }
        %and3A_212 = arith.constant false
        %and3A_213 = arith.andi %or3A_208, %and3A_212 : i1
        %ne3A_214 = arith.cmpi ne, %add3A_131, %add3A_149 : i32
        %or3A_215 = arith.constant false
        %or3A_216 = arith.ori %or3A_215, %ne3A_214 : i1
        %or3A_217 = arith.constant false
        %or3A_218 = arith.ori %or3A_216, %or3A_217 : i1
        %or3A_219 = arith.ori %or3A_218, %eq3A_130 : i1
        %convert_element_type3A_220 = arith.extui %or3A_219 : i1 to i32
        %cond3A_221 = arith.constant 0 : i32
        %cond3A_222 = arith.cmpi ne, %convert_element_type3A_220, %cond3A_221 : i32
        scf.if %cond3A_222 {
          "tpu.trace_start"() <{level = 10 : i32, message = "ep_copy_out"}> : () -> ()
          %rem3A_274 = arith.constant 2 : i32
          %rem3A_275 = arith.remui %scan3A_124, %rem3A_274 : i32
          %mul3A_276 = arith.constant 80 : i32
          %mul3A_277 = arith.muli %mul3A_276, %add3A_131 : i32
          %dma_start3A_278 = arith.constant 0 : i32
          %dma_start3A_279 = arith.constant 0 : i32
          %dma_start3A_280 = tpu.memref_slice %run_scoped3A_8[%rem3A_275, %dma_start3A_278, %dma_start3A_279] : memref<2x80x128xf32, #tpu.memory_space<vmem>> -> memref<1x80x128xf32, #tpu.memory_space<vmem>>
          %dma_start3A_281 = tpu.memref_squeeze %dma_start3A_280 : memref<1x80x128xf32, #tpu.memory_space<vmem>> -> memref<80x128xf32, #tpu.memory_space<vmem>>
          %dma_start3A_282 = arith.constant 0 : i32
          %dma_start3A_283 = tpu.memref_slice %arg4[%mul3A_277, %dma_start3A_282] : memref<640000x128xf32, #tpu.memory_space<hbm>> -> memref<80x128xf32, #tpu.memory_space<hbm>>
          %dma_start3A_284 = tpu.memref_slice %run_scoped3A_9[%rem3A_275] : memref<2x!tpu.dma_semaphore, #tpu.memory_space<semaphore_mem>> -> memref<1x!tpu.dma_semaphore, #tpu.memory_space<semaphore_mem>>
          %dma_start3A_285 = tpu.memref_squeeze %dma_start3A_284 : memref<1x!tpu.dma_semaphore, #tpu.memory_space<semaphore_mem>> -> memref<!tpu.dma_semaphore, #tpu.memory_space<semaphore_mem>>
          %dma_start3A_286 = arith.constant 0 : i32
          %dma_start3A_287 = tpu.memref_slice %arg4[%mul3A_277, %dma_start3A_286] : memref<640000x128xf32, #tpu.memory_space<hbm>> -> memref<80x128xf32, #tpu.memory_space<hbm>>
          %dma_start3A_288 = arith.constant 0 : i32
          %dma_start3A_289 = arith.constant 0 : i32
          %dma_start3A_290 = tpu.memref_slice %run_scoped3A_8[%rem3A_275, %dma_start3A_288, %dma_start3A_289] : memref<2x80x128xf32, #tpu.memory_space<vmem>> -> memref<1x80x128xf32, #tpu.memory_space<vmem>>
          %dma_start3A_291 = tpu.memref_squeeze %dma_start3A_290 : memref<1x80x128xf32, #tpu.memory_space<vmem>> -> memref<80x128xf32, #tpu.memory_space<vmem>>
          tpu.enqueue_dma source(%dma_start3A_291 : memref<80x128xf32, #tpu.memory_space<vmem>>) target(%dma_start3A_287 : memref<80x128xf32, #tpu.memory_space<hbm>>) target_semaphore(%dma_start3A_285 : memref<!tpu.dma_semaphore, #tpu.memory_space<semaphore_mem>>)
          "tpu.trace_stop"() : () -> ()
        } else {
        }
        %and3A_223 = arith.constant true
        %and3A_224 = arith.andi %or3A_219, %and3A_223 : i1
        %add3A_225 = arith.constant 1 : i32
        %add3A_226 = arith.addi %scan3A_124, %add3A_225 : i32
        %select_n3A_227 = arith.select %and3A_224, %add3A_226, %scan3A_124 : i32
        %ne3A_228 = arith.cmpi ne, %add3A_131, %add3A_140 : i32
        %or3A_229 = arith.constant false
        %or3A_230 = arith.ori %or3A_229, %ne3A_228 : i1
        %or3A_231 = arith.constant false
        %or3A_232 = arith.ori %or3A_230, %or3A_231 : i1
        %not3A_233 = arith.constant true
        %not3A_234 = arith.xori %eq3A_128, %not3A_233 : i1
        %and3A_235 = arith.andi %or3A_232, %not3A_234 : i1
        %convert_element_type3A_236 = arith.extui %and3A_235 : i1 to i32
        %cond3A_237 = arith.constant 0 : i32
        %cond3A_238 = arith.cmpi ne, %convert_element_type3A_236, %cond3A_237 : i32
        scf.if %cond3A_238 {
        } else {
        }
        %and3A_239 = arith.constant false
        %and3A_240 = arith.andi %and3A_235, %and3A_239 : i1
        %ne3A_241 = arith.cmpi ne, %add3A_131, %add3A_140 : i32
        %or3A_242 = arith.constant false
        %or3A_243 = arith.ori %or3A_242, %ne3A_241 : i1
        %or3A_244 = arith.constant false
        %or3A_245 = arith.ori %or3A_243, %or3A_244 : i1
        %not3A_246 = arith.constant true
        %not3A_247 = arith.xori %eq3A_128, %not3A_246 : i1
        %and3A_248 = arith.andi %or3A_245, %not3A_247 : i1
        %convert_element_type3A_249 = arith.extui %and3A_248 : i1 to i32
        %cond3A_250 = arith.constant 0 : i32
        %cond3A_251 = arith.cmpi ne, %convert_element_type3A_249, %cond3A_250 : i32
        scf.if %cond3A_251 {
          "tpu.trace_start"() <{level = 10 : i32, message = "ep_wait_out"}> : () -> ()
          %rem3A_274 = arith.constant 2 : i32
          %rem3A_275 = arith.remui %scan3A_125, %rem3A_274 : i32
          %mul3A_276 = arith.constant 80 : i32
          %mul3A_277 = arith.muli %mul3A_276, %add3A_140 : i32
          %dma_wait3A_278 = arith.constant 0 : i32
          %dma_wait3A_279 = arith.constant 0 : i32
          %dma_wait3A_280 = tpu.memref_slice %run_scoped3A_8[%rem3A_275, %dma_wait3A_278, %dma_wait3A_279] : memref<2x80x128xf32, #tpu.memory_space<vmem>> -> memref<1x80x128xf32, #tpu.memory_space<vmem>>
          %dma_wait3A_281 = tpu.memref_squeeze %dma_wait3A_280 : memref<1x80x128xf32, #tpu.memory_space<vmem>> -> memref<80x128xf32, #tpu.memory_space<vmem>>
          %dma_wait3A_282 = arith.constant 0 : i32
          %dma_wait3A_283 = tpu.memref_slice %arg4[%mul3A_277, %dma_wait3A_282] : memref<640000x128xf32, #tpu.memory_space<hbm>> -> memref<80x128xf32, #tpu.memory_space<hbm>>
          %dma_wait3A_284 = tpu.memref_slice %run_scoped3A_9[%rem3A_275] : memref<2x!tpu.dma_semaphore, #tpu.memory_space<semaphore_mem>> -> memref<1x!tpu.dma_semaphore, #tpu.memory_space<semaphore_mem>>
          %dma_wait3A_285 = tpu.memref_squeeze %dma_wait3A_284 : memref<1x!tpu.dma_semaphore, #tpu.memory_space<semaphore_mem>> -> memref<!tpu.dma_semaphore, #tpu.memory_space<semaphore_mem>>
          %dma_wait3A_286 = arith.constant 0 : i32
          %dma_wait3A_287 = tpu.memref_slice %arg4[%mul3A_277, %dma_wait3A_286] : memref<640000x128xf32, #tpu.memory_space<hbm>> -> memref<80x128xf32, #tpu.memory_space<hbm>>
          %dma_wait3A_288 = arith.constant 0 : i32
          %dma_wait3A_289 = arith.constant 0 : i32
          %dma_wait3A_290 = tpu.memref_slice %run_scoped3A_8[%rem3A_275, %dma_wait3A_288, %dma_wait3A_289] : memref<2x80x128xf32, #tpu.memory_space<vmem>> -> memref<1x80x128xf32, #tpu.memory_space<vmem>>
          %dma_wait3A_291 = tpu.memref_squeeze %dma_wait3A_290 : memref<1x80x128xf32, #tpu.memory_space<vmem>> -> memref<80x128xf32, #tpu.memory_space<vmem>>
          tpu.wait_dma2 semaphore(%dma_wait3A_285 : memref<!tpu.dma_semaphore, #tpu.memory_space<semaphore_mem>>) src(%dma_wait3A_291 : memref<80x128xf32, #tpu.memory_space<vmem>>) dst(%dma_wait3A_287 : memref<80x128xf32, #tpu.memory_space<hbm>>)
          "tpu.trace_stop"() : () -> ()
        } else {
        }
        %and3A_252 = arith.constant true
        %and3A_253 = arith.andi %and3A_248, %and3A_252 : i1
        %add3A_254 = arith.constant 1 : i32
        %add3A_255 = arith.addi %scan3A_125, %add3A_254 : i32
        %select_n3A_256 = arith.select %and3A_253, %add3A_255, %scan3A_125 : i32
        %ne3A_257 = arith.cmpi ne, %add3A_131, %add3A_149 : i32
        %or3A_258 = arith.constant false
        %or3A_259 = arith.ori %or3A_258, %ne3A_257 : i1
        %or3A_260 = arith.constant false
        %or3A_261 = arith.ori %or3A_259, %or3A_260 : i1
        %or3A_262 = arith.ori %or3A_261, %eq3A_130 : i1
        %add3A_263 = arith.constant 1 : i32
        %add3A_264 = arith.addi %scan3A_123, %add3A_263 : i32
        %select_n3A_265 = arith.select %or3A_262, %add3A_264, %scan3A_123 : i32
        %add3A_266 = arith.constant 1 : i32
        %add3A_267 = arith.addi %scan3A_126, %add3A_266 : i32
        %select_n3A_268 = arith.constant true
        %select_n3A_269 = arith.select %select_n3A_268, %add3A_267, %scan3A_126 : i32
        %eq3A_270 = arith.constant 250 : i32
        %eq3A_271 = arith.cmpi eq, %select_n3A_269, %eq3A_270 : i32
        %select_n3A_272 = arith.constant 0 : i32
        %select_n3A_273 = arith.select %eq3A_271, %select_n3A_272, %select_n3A_269 : i32
        scf.yield %select_n3A_169, %select_n3A_265, %select_n3A_227, %select_n3A_256, %select_n3A_273 : i32, i32, i32, i32, i32
      }
      %scan3A_68 = arith.constant 250 : i32
      %sub3A = arith.constant 1 : i32
      %sub3A_69 = arith.subi %scan3A_67#4, %sub3A : i32
      %select_n3A_70 = arith.constant true
      %select_n3A_71 = arith.select %select_n3A_70, %sub3A_69, %scan3A_67#4 : i32
      %eq3A_72 = arith.constant -1 : i32
      %eq3A_73 = arith.cmpi eq, %select_n3A_71, %eq3A_72 : i32
      %select_n3A_74 = arith.constant 249 : i32
      %select_n3A_75 = arith.select %eq3A_73, %select_n3A_74, %select_n3A_71 : i32
      %add3A_76 = arith.addi %select_n3A_75, %mul3A_6 : i32
      %sub3A_77 = arith.constant 1 : i32
      %sub3A_78 = arith.subi %select_n3A_75, %sub3A_77 : i32
      %select_n3A_79 = arith.constant true
      %select_n3A_80 = arith.select %select_n3A_79, %sub3A_78, %select_n3A_75 : i32
      %eq3A_81 = arith.constant -1 : i32
      %eq3A_82 = arith.cmpi eq, %select_n3A_80, %eq3A_81 : i32
      %select_n3A_83 = arith.constant 249 : i32
      %select_n3A_84 = arith.select %eq3A_82, %select_n3A_83, %select_n3A_80 : i32
      %add3A_85 = arith.addi %select_n3A_84, %mul3A_6 : i32
      %add3A_86 = arith.constant 1 : i32
      %add3A_87 = arith.addi %select_n3A_75, %add3A_86 : i32
      %select_n3A_88 = arith.constant true
      %select_n3A_89 = arith.select %select_n3A_88, %add3A_87, %select_n3A_75 : i32
      %eq3A_90 = arith.constant 250 : i32
      %eq3A_91 = arith.cmpi eq, %select_n3A_89, %eq3A_90 : i32
      %select_n3A_92 = arith.constant 0 : i32
      %select_n3A_93 = arith.select %eq3A_91, %select_n3A_92, %select_n3A_89 : i32
      %add3A_94 = arith.addi %select_n3A_93, %mul3A_6 : i32
      %add3A_95 = arith.constant 1 : i32
      %add3A_96 = arith.addi %select_n3A_93, %add3A_95 : i32
      %select_n3A_97 = arith.constant true
      %select_n3A_98 = arith.select %select_n3A_97, %add3A_96, %select_n3A_93 : i32
      %eq3A_99 = arith.constant 250 : i32
      %eq3A_100 = arith.cmpi eq, %select_n3A_98, %eq3A_99 : i32
      %select_n3A_101 = arith.constant 0 : i32
      %select_n3A_102 = arith.select %eq3A_100, %select_n3A_101, %select_n3A_98 : i32
      %add3A_103 = arith.addi %select_n3A_102, %mul3A_6 : i32
      "tpu.trace_start"() <{level = 10 : i32, message = "ep_finalize"}> : () -> ()
      %rem3A_104 = arith.constant 2 : i32
      %rem3A_105 = arith.remui %scan3A_67#3, %rem3A_104 : i32
      %mul3A_106 = arith.constant 80 : i32
      %mul3A_107 = arith.muli %mul3A_106, %add3A_76 : i32
      %dma_wait3A = arith.constant 0 : i32
      %dma_wait3A_108 = arith.constant 0 : i32
      %dma_wait3A_109 = tpu.memref_slice %run_scoped3A_8[%rem3A_105, %dma_wait3A, %dma_wait3A_108] : memref<2x80x128xf32, #tpu.memory_space<vmem>> -> memref<1x80x128xf32, #tpu.memory_space<vmem>>
      %dma_wait3A_110 = tpu.memref_squeeze %dma_wait3A_109 : memref<1x80x128xf32, #tpu.memory_space<vmem>> -> memref<80x128xf32, #tpu.memory_space<vmem>>
      %dma_wait3A_111 = arith.constant 0 : i32
      %dma_wait3A_112 = tpu.memref_slice %arg4[%mul3A_107, %dma_wait3A_111] : memref<640000x128xf32, #tpu.memory_space<hbm>> -> memref<80x128xf32, #tpu.memory_space<hbm>>
      %dma_wait3A_113 = tpu.memref_slice %run_scoped3A_9[%rem3A_105] : memref<2x!tpu.dma_semaphore, #tpu.memory_space<semaphore_mem>> -> memref<1x!tpu.dma_semaphore, #tpu.memory_space<semaphore_mem>>
      %dma_wait3A_114 = tpu.memref_squeeze %dma_wait3A_113 : memref<1x!tpu.dma_semaphore, #tpu.memory_space<semaphore_mem>> -> memref<!tpu.dma_semaphore, #tpu.memory_space<semaphore_mem>>
      %dma_wait3A_115 = arith.constant 0 : i32
      %dma_wait3A_116 = tpu.memref_slice %arg4[%mul3A_107, %dma_wait3A_115] : memref<640000x128xf32, #tpu.memory_space<hbm>> -> memref<80x128xf32, #tpu.memory_space<hbm>>
      %dma_wait3A_117 = arith.constant 0 : i32
      %dma_wait3A_118 = arith.constant 0 : i32
      %dma_wait3A_119 = tpu.memref_slice %run_scoped3A_8[%rem3A_105, %dma_wait3A_117, %dma_wait3A_118] : memref<2x80x128xf32, #tpu.memory_space<vmem>> -> memref<1x80x128xf32, #tpu.memory_space<vmem>>
      %dma_wait3A_120 = tpu.memref_squeeze %dma_wait3A_119 : memref<1x80x128xf32, #tpu.memory_space<vmem>> -> memref<80x128xf32, #tpu.memory_space<vmem>>
      tpu.wait_dma2 semaphore(%dma_wait3A_114 : memref<!tpu.dma_semaphore, #tpu.memory_space<semaphore_mem>>) src(%dma_wait3A_120 : memref<80x128xf32, #tpu.memory_space<vmem>>) dst(%dma_wait3A_116 : memref<80x128xf32, #tpu.memory_space<hbm>>)
      "tpu.trace_stop"() : () -> ()
      tpu.yield
    }) : () -> ()
    return
  }
}

</mosaic_0001>

<sc_bundles>
// kernel: _sc_gather.3.cloned.1.call-start
scs
__scs_entry_jumppad:
0x0: {  	(pc) =	sbr.rel $0x88, $3  }
0x1: {  	(tag) =	ssettag $0x0;
	lr =	simm.s32 $0x1  }
0x2: {  	[smem:$0x3F9F] =	sst lr;
	_ =	strace $0xD0000000  }
0x3: {  	_ = 	snop  }
0x4: {  	_ = 	snop  }
0x5: {  	_ = 	snop  }
0x6: {  	_ = 	snop  }
0x7: {  	_ = 	snop  }
__scs_overlays_trampoline_lowered:
0x8: {  	[smem:$0x3FAE] =	sst s0  }
0x9: {  	[smem:$0x3FAF] =	sst s1  }
0xa: {  	[smem:$0x3FB0] =	sst s2  }
0xb: {  	[smem:$0x3FB1] =	sst s3  }
0xc: {  	[smem:$0x3FB2] =	sst s4  }
0xd: {  	[smem:$0x3FB3] =	sst s5  }
0xe: {  	[smem:$0x3FB4] =	sst s6  }
0xf: {  	[smem:$0x3FB5] =	sst s7  }
0x10: {  	[smem:$0x3FB6] =	sst s8  }
0x11: {  	[smem:$0x3FB7] =	sst s9;
	s0 =	simm.s32 @!p0 $0x0  }
0x12: {  	s1 =	sld [smem:$0x3F9D];
	s0 =	simm.s32 @p0 $0x1  }
0x13: {  	[smem:$0x3FB8] =	sst s0;
	s0 =	simm.s32 @!p1 $0x0  }
0x14: {  	s2 =	sld [smem:$0x3F9C];
	s0 =	simm.s32 @p1 $0x1  }
0x15: {  	[smem:$0x3FB9] =	sst s0;
	s0 =	simm.s32 @!p2 $0x0  }
0x16: {  	s3 =	sld [smem:$0x3FDB];
	s0 =	simm.s32 @p2 $0x1  }
0x17: {  	s4 =	simm.s32 $0x1BF5;
	[smem:$0x3FBB] =	sst s0  }
0x18: {  	s0 =	sld [smem:$0x3F9E];
	_ =	swait.ge [sflag:s4], $0x0  }
0x19: {  	s7 =	sld [smem:$0x3F9F]  }
0x1a: {  	s8 =	sadd.s32 $0xFFFFE003, lr  }
0x1b: {  	s9 =	sadd.s32 $0xFFFFFEF7, lr;
	s5 =	simm.s32 $0xFFFFFFFF;
	p2 =	slt.u32 s8, $0xFFFFF086  }
0x1c: {  	p1 =	slt.u32 s9, $0xF7A;
	s5 =	simm.s32 @!p2 $0x0  }
0x1d: {  	s5 =	simm.s32 @p1 $0x1;
	p0 =	seq.s32 s7, s2  }
0x1e: {  	s7 =	smul.u32 @!p0 $0xF7A, s2;
	p2 =	seq.s32 @!p0 s5, $0x0  }
0x1f: {  	s9 =	smul.u32 $0xF7A, s1;
	s8 =	simm.s32 @!p0 $0x1BF5;
	p2 =	por !p2, p0  }
0x20: {  	[sflag:s8] =	ssyncset.s32 @!p0 $0xFFFFF086;
	s6 =	sadd.s32 @!p0 s3, s7;
	s7 =	simm.s32 @!p0 $0x108  }
0x21: {  	s3 =	sadd.s32 s3, s9;
	s6 =	sadd.s32 @!p0 $0x88, s6;
	s7 =	simm.s32 @p2 $0x1082  }
0x22: {  	[simem:s7], [sflag:s8] =	dma.local @!p0 [hbm:s6], $0xF7A  }
0x23: {  	s9 =	sor.u32 $0xD0000000, s2;
	s6 =	simm.s32 $0x108;
	_ =	swait.ge @!p0 [sflag:s8], $0x0  }
0x24: {  	s3 =	sadd.s32 $0x88, s3;
	s6 =	simm.s32 @!p1 $0x1082;
	[sflag:s4] =	ssyncset.s32 $0xFFFFF086  }
0x25: {  	[simem:s6], [sflag:s4] =	dma.local [hbm:s3], $0xF7A  }
0x26: {  	[smem:$0x3F9F] =	sst s1;
	(tag) =	ssettag s2;
	_ =	strace s9  }
0x27: {  	s1 =	sld [smem:$0x3FAF]  }
0x28: {  	s2 =	sld [smem:$0x3FB0]  }
0x29: {  	s4 =	sld [smem:$0x3FB2]  }
0x2a: {  	p0 =	seq.s32 s5, $0x0;
	s5 =	sld [smem:$0x3FB3]  }
0x2b: {  	s6 =	sld [smem:$0x3FB4]  }
0x2c: {  	s7 =	sld [smem:$0x3FB5]  }
0x2d: {  	s3 =	simm.s32 $0x108;
	s8 =	sld [smem:$0x3FB6]  }
0x2e: {  	s3 =	simm.s32 @!p0 $0x1082;
	s9 =	sld [smem:$0x3FB7]  }
0x2f: {  	lr =	sadd.s32 s0, s3;
	s0 =	sld [smem:$0x3FAE]  }
0x30: {  	s3 =	sld [smem:$0x3FB1]  }
0x31: {  	[smem:$0x3FBA] =	sst s10  }
0x32: {  	s10 =	sld [smem:$0x3FB8];
	_ =	sdelay $0x3  }
0x33: {  	p0 =	seq.s32 s10, $0x1;
	s10 =	sld [smem:$0x3FBA];
	_ =	sdelay $0x3  }
0x34: {  	[smem:$0x3FBA] =	sst s10  }
0x35: {  	s10 =	sld [smem:$0x3FB9];
	_ =	sdelay $0x3  }
0x36: {  	p1 =	seq.s32 s10, $0x1;
	s10 =	sld [smem:$0x3FBA];
	_ =	sdelay $0x3  }
0x37: {  	[smem:$0x3FBA] =	sst s10  }
0x38: {  	s10 =	sld [smem:$0x3FBB]  }
0x39: {  	_ = 	snop;
	(pc) =	sbr.ind lr, $3  }
0x3a: {  	_ = 	snop  }
0x3b: {  	_ = 	snop  }
0x3c: {  	p2 =	seq.s32 s10, $0x1;
	s10 =	sld [smem:$0x3FBA]  }
0x3d: {  	_ =	shalt  }
0x3e: {  	_ =	shalt  }
0x3f: {  	_ =	shalt  }
0x40: {  	_ =	shalt  }
0x41: {  	_ =	shalt  }
0x42: {  	_ =	shalt  }
0x43: {  	_ =	shalt  }
0x44: {  	_ =	shalt  }
0x45: {  	_ =	shalt  }
0x46: {  	_ =	shalt  }
0x47: {  	_ =	shalt  }
0x48: {  	_ =	shalt  }
0x49: {  	_ =	shalt  }
0x4a: {  	_ =	shalt  }
0x4b: {  	_ =	shalt  }
0x4c: {  	_ =	shalt  }
0x4d: {  	_ =	shalt  }
0x4e: {  	_ =	shalt  }
0x4f: {  	_ =	shalt  }
0x50: {  	_ =	shalt  }
0x51: {  	_ =	shalt  }
0x52: {  	_ =	shalt  }
0x53: {  	_ =	shalt  }
0x54: {  	_ =	shalt  }
0x55: {  	_ =	shalt  }
0x56: {  	_ =	shalt  }
0x57: {  	_ =	shalt  }
0x58: {  	_ =	shalt  }
0x59: {  	_ =	shalt  }
0x5a: {  	_ =	shalt  }
0x5b: {  	_ =	shalt  }
0x5c: {  	_ =	shalt  }
0x5d: {  	_ =	shalt  }
0x5e: {  	_ =	shalt  }
0x5f: {  	_ =	shalt  }
0x60: {  	_ =	shalt  }
0x61: {  	_ =	shalt  }
0x62: {  	_ =	shalt  }
0x63: {  	_ =	shalt  }
0x64: {  	_ =	shalt  }
0x65: {  	_ =	shalt  }
0x66: {  	_ =	shalt  }
0x67: {  	_ =	shalt  }
0x68: {  	_ =	shalt  }
0x69: {  	_ =	shalt  }
0x6a: {  	_ =	shalt  }
0x6b: {  	_ =	shalt  }
0x6c: {  	_ =	shalt  }
0x6d: {  	_ =	shalt  }
0x6e: {  	_ =	shalt  }
0x6f: {  	_ =	shalt  }
0x70: {  	_ =	shalt  }
0x71: {  	_ =	shalt  }
0x72: {  	_ =	shalt  }
0x73: {  	_ =	shalt  }
0x74: {  	_ =	shalt  }
0x75: {  	_ =	shalt  }
0x76: {  	_ =	shalt  }
0x77: {  	_ =	shalt  }
0x78: {  	_ =	shalt  }
0x79: {  	_ =	shalt  }
0x7a: {  	_ =	shalt  }
0x7b: {  	_ =	shalt  }
0x7c: {  	_ =	shalt  }
0x7d: {  	_ =	shalt  }
0x7e: {  	_ =	shalt  }
0x7f: {  	_ =	shalt  }
0x80: {  	_ =	shalt  }
0x81: {  	_ =	shalt  }
0x82: {  	_ =	shalt  }
0x83: {  	_ =	shalt  }
0x84: {  	_ =	shalt  }
0x85: {  	_ =	shalt  }
0x86: {  	_ =	shalt  }
0x87: {  	_ =	shalt  }
.Lfunc_end0:
.L_simem_size_0:
called_computation_lowered:
.L_overlay_start_0:
0x88: {  	s2 =	sld [smem:$0x3FD9]  }
0x89: {  	s3 =	sld [smem:$0x3FFE];
	_ =	sdelay $0x1  }
0x8a: {  	s1 =	srdreg.scid  }
0x8b: {  	s0 =	sand.u32 $0x1, s1  }
0x8c: {  	s17 =	sshll.u32 s0, $0xA;
	s2 =	sadd.s32 s3, s2  }
0x8d: {  	s2 =	sadd.s32 s2, s17  }
0x8e: {  	[smem:$0x3FC6] =	sst s2  }
0x8f: {  	_ = 	snop  }
0x90: {  	s2 =	sld [smem:$0x3FC9]  }
0x91: {  	s18 =	sld [smem:$0x3FD0];
	(tm) =	ssettm $0x1  }
0x92: {  	s4 =	sld [smem:$0x3FFB];
	_ =	sdelay $0x3  }
0x93: {  	_ =	strace s4  }
0x94: {  	s4 =	sld [smem:$0x3FFC];
	_ =	sdelay $0x3  }
0x95: {  	_ =	strace s4  }
0x96: {  	s4 =	sld [smem:$0x3FFD];
	_ =	sdelay $0x3  }
0x97: {  	_ =	strace s4  }
0x98: {  	_ =	strace $0x8FFFFFFF  }
0x99: {  	s19 =	sld [smem:$0x3FDB];
	_ =	sdelay $0x1  }
0x9a: {  	s5 =	simm.s32 $_scs_section_size  }
0x9b: {  	s6 =	simm.s32 $_size__tile_overlayer_lowered;
	s7 =	simm.s32 $_tile_overlayer_lowered  }
0x9c: {  	s22 =	simm.s32 $0x1BFF;
	s21 =	sshll.u32 s7, $0x1;
	s4 =	sadd.s32 s5, s19  }
0x9d: {  	s8 =	simm.s32 $0x0;
	s20 =	sshll.u32 s6, $0x1;
	s6 =	sadd.s32 s21, s4  }
0x9e: {  	[timem:s8], [sflag:s22] =	dma.local [hbm:s6], s20  }
0x9f: {  	_ =	swait.ge [sflag:s22], s20  }
0xa0: {  	s5 =	ssub.s32 $0x0, s20;
	[sflag:s22] =	ssyncset.done $0x0  }
0xa1: {  	[sflag:s22] =	ssyncadd.s32 s5;
	_ =	sdelay $0x1  }
0xa2: {  	s23 =	simm.s32 $0x1B8B  }
0xa3: {  	_ =	swait.ge [sflag:s23], $0x1  }
0xa4: {  	[sflag:s23] =	ssyncset.done $0x0  }
0xa5: {  	s25 =	simm.s32 $0x1B8E;
	s24 =	sld [smem:$0x3FFE];
	[sflag:s23] =	ssyncadd.s32 $0xFFFFFFFF  }
0xa6: {  	s26 =	simm.s32 $execute0_lowered;
	[smem:$0x3FD2] =	sst s25  }
0xa7: {  	s6 =	sshll.u32 s26, $0x1;
	_ =	strace $0x80000046;
	[dreg:$0x1] =	wrdreg $0xFFFFFFFF  }
0xa8: {  	s28 =	simm.s32 $_size_execute0_lowered;
	s4 =	sadd.s32 s4, s6;
	[dreg:$0x0] =	wrdreg $0x0  }
0xa9: {  	s6 =	sshll.u32 s28, $0x1;
	[dreg:$0x2] =	wrdreg s4  }
0xaa: {  	[dreg:$0x3] =	wrdreg s6  }
0xab: {  	[dreg:$0x4] =	wrdreg $0xC0  }
0xac: {  	_ =	task [dreg:s8], $0x5FFFF  }
0xad: {  	[dreg:$0x1] =	wrdreg $0xFFFFFFFF  }
0xae: {  	[dreg:$0x0] =	wrdreg $0x60  }
0xaf: {  	[dreg:$0x2] =	wrdreg s2  }
0xb0: {  	[dreg:$0x3] =	wrdreg s24  }
0xb1: {  	[dreg:$0x4] =	wrdreg s18  }
0xb2: {  	[dreg:$0x5] =	wrdreg $0x9  }
0xb3: {  	_ =	task.clear_ibuf [dreg:s8], $0x6FFFF;
	_ =	strace $0x90000046  }
0xb4: {  	s29 =	simm.s32 $0x9;
	_ =	strace $0x8000004F  }
0xb5: {  	_ =	swait.ge [sflag:s29], $0x1  }
0xb6: {  	[sflag:s29] =	ssyncadd.s32 $0xFFFFFFFF  }
0xb7: {  	_ =	strace $0x9000004F  }
0xb8: {  	_ =	sfence  }
0xb9: {  	s30 =	sld [smem:$0x0];
	_ =	sdelay $0x2  }
0xba: {  	s31 =	sshll.u32 s1, $0xD;
	s1 =	sshrl.u32 s1, $0x2  }
0xbb: {  	s3 =	sand.u32 $0x4000, s31;
	s1 =	sadd.s32 s1, s30  }
0xbc: {  	s0 =	sor.u32 s3, s0;
	s1 =	sshll.u32 s1, $0x11  }
0xbd: {  	s0 =	sor.u32 s1, s0  }
0xbe: {  	s0 =	sadd.s32 $0x8F2B, s0  }
0xbf: {  	[sflag:s0] =	ssyncadd.remote.s32 $0x1  }
0xc0: {  	_ =	sfence.sel $0xFFFF  }
0xc1: {  	[dreg:$0x0] =	wrdreg $0xFFFFFFFF;
	(pc) =	sbr.abs _section_cstart, $3  }
0xc2: {  	[dreg:$0x1] =	wrdreg $0xFFFFFFFF  }
0xc3: {  	_ =	task.clear_ibuf [dreg:s8], $0x2FFFF;
	_ =	strace $0x9FFFFFFF  }
0xc4: {  	(tm) =	ssettm $0x7FFFFFFF  }
0xc5: {  	_ =	shalt  }
tec
execute0_lowered:
.L_overlay_start_1:
0x0: {  	(tag) =	ssettag $0x1  }
0x1: {  	s0 =	rddreg [dreg:$0x0]  }
0x2: {  	s4 =	rddreg [dreg:$0x1]  }
0x3: {  	s1 =	srdreg.scid;
	s2 =	rddreg [dreg:$0x2];
	s31 =	simm.s32 $0x50  }
0x4: {  	s9 =	simm.s32 $0x0;
	[dreg:$0x4] =	wrdreg s0;
	s3 =	sand.u32 $0x1, s1  }
0x5: {  	s0 =	stileid.u32;
	[dreg:$0x6] =	wrdreg s2;
	s1 =	sshll.u32 s3, $0x4  }
0x6: {  	s2 =	simm.s32 $0x0;
	s7 =	sshll.u32 s0, $0x8;
	s5 =	sor.u32 s0, s1  }
0x7: {  	[smem:$0x7FF] =	sst s2;
	s8 =	ssub.s32 $0x2, s3;
	s6 =	smul.u32 $0x7D00, s5  }
0x8: {  	s3 =	sadd.s32 $0x400, s4;
	s1 =	rddreg [dreg:$0x3];
	s7 =	sand.u32 $0x300, s7  }
0x9: {  	_ =	strace $0x80000047;
	s29 =	sshrl.u32 s8, $0x1;
	s6 =	sand.u32 $0xFFC00, s6  }
0xa: {  	[dreg:$0x5] =	wrdreg s31;
	s30 =	ssub.s32 s8, s29;
	s6 =	sor.u32 s7, s6  }
0xb: {  	s4 =	smul.u32 $0xFA, s5;
	s8 =	simm.s32 $0x5;
	s6 =	sshrl.u32 s6, $0x3  }
0xc: {  	s7 =	simm.s32 $0x1;
	s5 =	sadd.s32 s3, s6;
	s6 =	smax.u32 s30, $0x1  }
.LBB2_1:
0xd: {  	_ =	strace $0x80000048;
	s12 =	simm.s32 $0x1;
	p0 =	por $0x0, $0x0  }
0xe: {  	[tilespmem:s2], [sflag:$0x1] =	stream.linear.gather [hbm4b:s5+s2], $0x80, $0x200038;
	[tilespmem:$0x5100] =	vst v63  }
0xf: {  	p4 =	por $0x1, $0x1;
	s12 =	simm.s32 @p0 $0x0  }
0x10: {  	s19 =	sand.u32 $0x1, s2;
	s17 =	sadd.s32 $0x0, s4;
	p1 =	sne.s32 s12, $0x0  }
0x11: {  	s16 =	simm.s32 $0xF8;
	s22 =	simm.s32 $0x0;
	p0 =	por !p4, !p1  }
0x12: {  	p3 =	por $0x1, $0x1;
	p6 =	por $0x0, $0x0;
	p0 =	por !p0, !p0  }
0x13: {  	p5 =	por $0x0, $0x0;
	s15 =	smul.u32 $0xA000, s19;
	s10 =	sadd.s32 @p0 s4, s12  }
0x14: {  	_ =	strace $0x90000048;
	s11 =	sand.u32 @p0 $0x1, s7;
	s10 =	sshll.u32 @p0 s10, $0x4  }
0x15: {  	_ =	strace @p0 $0x80000049;
	s14 =	simm.s32 @p0 $0x0;
	s10 =	sand.u32 @p0 $0x1FFFFFF0, s10  }
0x16: {  	s13 =	sshll.u32 @p0 s11, $0x7;
	s11 =	sadd.s32 @p0 $0x1, s11;
	s10 =	sadd.s32 @p0 s3, s10  }
0x17: {  	[tilespmem:s13], [sflag:s11] =	stream.linear.gather @p0 [hbm4b:s10+s14], $0x80, $0x200038;
	[tilespmem:$0x5100] =	vst v63  }
0x18: {  	s30 =	sadd.s32 $0x1, s19;
	s31 =	sand.u32 $0x80, s22;
	_ =	strace @p0 $0x90000049  }
0x19: {  	p1 =	por p1, p1;
	s15 =	sshrl.u32 s15, $0x2;
	_ =	strace $0x8000004A  }
0x1a: {  	s24 =	sor.u32 $0x100, s15;
	p5 =	por p5, p1;
	_ =	swait.ge [sflag:s30], $0x80  }
0x1b: {  	s15 =	simm.s32 $0x0;
	s10 =	simm.s32 $0xF9;
	[sflag:s30] =	ssyncset.done $0x0  }
0x1c: {  	s13 =	simm.s32 $0x1;
	s11 =	sadd.s32 s4, s12;
	[sflag:s30] =	ssyncadd.s32 $0xFFFFFF80  }
0x1d: {  	s14 =	sadd.s32 $0x1, s12;
	s13 =	simm.s32 @!p0 $0x0;
	_ =	strace $0x9000004A  }
0x1e: {  	p0 =	por $0x1, $0x1;
	p2 =	seq.s32 s14, $0xFA;
	_ =	strace $0x8000004B  }
0x1f: {  	s13 =	sadd.s32 $0x1, s13;
	s20 =	sand.u32 @!p0 $0x1, s2;
	s18 =	rddreg [dreg:$0x4]  }
0x20: {  	s14 =	simm.s32 @p2 $0x0;
	p0 =	por p0, p0;
	s21 =	rddreg [dreg:$0x5]  }
0x21: {  	[tilespmem:s24], [sflag:$0x5] =	stream.indirect.gather [hbm4b:s18+s21], $0x80, s31, s21, $0x2000b8;
	[tilespmem:$0x5100] =	vst v63  }
0x22: {  	p2 =	sne.s32 s12, s14;
	s12 =	simm.s32 $0x0;
	_ =	swait.ge [sflag:s8], $0x2800  }
0x23: {  	p4 =	por !p3, !p2;
	s21 =	simm.s32 $0x1;
	[sflag:s8] =	ssyncset.done $0x0  }
0x24: {  	s18 =	simm.s32 $0x0;
	s21 =	simm.s32 @!p6 $0x0;
	[sflag:s8] =	ssyncadd.s32 $0xFFFFD800  }
.LBB2_2:
0x25: {  	_ =	strace $0x9000004B;
	s25 =	simm.s32 $0x1  }
0x26: {  	s22 =	smov.u32 s10;
	s10 =	smov.u32 s16;
	s16 =	sadd.s32 $0xFFFFFFFF, s16  }
0x27: {  	s23 =	smov.u32 s14;
	p1 =	por p2, p2;
	s17 =	smul.u32 @p5 $0x2800, s17  }
0x28: {  	s19 =	sadd.s32 @p5 $0x3, s19;
	p4 =	por !p4, !p4;
	s12 =	sadd.s32 s21, s12  }
0x29: {  	s25 =	simm.s32 @!p5 $0x0;
	_ =	strace @p5 $0x8000004C;
	p3 =	sne.s32 s16, $0x0  }
0x2a: {  	p2 =	seq.s32 s22, $0xFA;
	s28 =	rddreg [dreg:$0x6];
	s30 =	sshrl.u32 @p5 s17, $0x3  }
0x2b: {  	s21 =	sand.u32 @p4 $0x1, s13;
	s28 =	sadd.s32 @p5 s28, s30;
	s30 =	simm.s32 @p5 $0x0  }
0x2c: {  	[hbm4b:s28+s30] =	stream.linear.scatter @p5 [tilespmem:s24], [sflag:s19], $0x2800, $0x200038;
	[tilespmem:$0x5100] =	vst v63  }
0x2d: {  	p6 =	sne.s32 s22, $0xFA;
	s15 =	sadd.s32 s25, s15;
	_ =	strace @p5 $0x9000004C  }
0x2e: {  	s18 =	sadd.s32 s25, s18;
	s19 =	sadd.s32 @!p0 $0x3, s20;
	_ =	strace @!p0 $0x8000004D  }
0x2f: {  	s17 =	smov.u32 s11;
	s11 =	sadd.s32 s4, s14;
	_ =	swait.ge @!p0 [sflag:s19], $0x2800  }
0x30: {  	s26 =	sand.u32 $0x1, s15;
	s20 =	sadd.s32 @p4 s4, s14;
	[sflag:s19] =	ssyncset.done @!p0 $0x0  }
0x31: {  	s24 =	sshll.u32 @p4 s21, $0x7;
	s20 =	sshll.u32 @p4 s20, $0x4;
	[sflag:s19] =	ssyncadd.s32 @!p0 $0xFFFFD800  }
0x32: {  	s21 =	sadd.s32 @p4 $0x1, s21;
	s20 =	sand.u32 @p4 $0x1FFFFFF0, s20;
	_ =	strace @!p0 $0x9000004D  }
0x33: {  	s28 =	simm.s32 @p4 $0x0;
	s19 =	sadd.s32 @p4 s3, s20;
	_ =	strace @p4 $0x80000049  }
0x34: {  	[tilespmem:s24], [sflag:s21] =	stream.linear.gather @p4 [hbm4b:s19+s28], $0x80, $0x200038;
	[tilespmem:$0x5100] =	vst v63  }
0x35: {  	s29 =	sand.u32 $0x1, s18;
	s31 =	smul.u32 $0xA000, s26;
	_ =	strace @p4 $0x90000049  }
0x36: {  	s14 =	sadd.s32 $0x1, s14;
	s24 =	sadd.s32 $0x1, s29;
	_ =	strace $0x8000004A  }
0x37: {  	p5 =	sne.s32 s10, $0x1;
	s20 =	simm.s32 $0x1;
	_ =	swait.ge [sflag:s24], $0x80  }
0x38: {  	s30 =	sshrl.u32 s31, $0x2;
	s20 =	simm.s32 @!p4 $0x0;
	[sflag:s24] =	ssyncset.done $0x0  }
0x39: {  	p0 =	por p2, p2;
	s13 =	sadd.s32 s20, s13;
	[sflag:s24] =	ssyncadd.s32 $0xFFFFFF80  }
0x3a: {  	s20 =	sand.u32 @!p2 $0x1, s12;
	p2 =	seq.s32 s14, $0xFA;
	_ =	strace $0x9000004A  }
0x3b: {  	s28 =	sshll.u32 s18, $0x7;
	s14 =	simm.s32 @p2 $0x0;
	_ =	strace $0x8000004B  }
0x3c: {  	s21 =	sand.u32 $0x80, s28;
	p2 =	sne.s32 s23, s14;
	s29 =	rddreg [dreg:$0x4]  }
.Ltmp0:
0x3d: {  	s24 =	sor.u32 $0x100, s30;
	s31 =	rddreg [dreg:$0x5];
	(pc) =	sbr.rel @p3 .LBB2_2-.Ltmp0, $4  }
0x3e: {  	[tilespmem:s24], [sflag:$0x5] =	stream.indirect.gather [hbm4b:s29+s31], $0x80, s21, s31, $0x2000b8;
	[tilespmem:$0x5100] =	vst v63  }
0x3f: {  	s19 =	smov.u32 s26;
	p4 =	por !p5, !p2;
	_ =	swait.ge [sflag:s8], $0x2800  }
0x40: {  	p5 =	seq.s32 s22, $0x1;
	s21 =	simm.s32 $0x1;
	[sflag:s8] =	ssyncset.done $0x0  }
0x41: {  	p5 =	por p5, p1;
	s21 =	simm.s32 @!p6 $0x0;
	[sflag:s8] =	ssyncadd.s32 $0xFFFFD800  }
0x42: {  	_ =	strace $0x9000004B;
	s16 =	smul.u32 @p5 $0x2800, s17  }
0x43: {  	_ =	strace @p5 $0x8000004C  }
0x44: {  	s17 =	rddreg [dreg:$0x6];
	s16 =	sshrl.u32 @p5 s16, $0x3  }
0x45: {  	s19 =	sadd.s32 @p5 $0x3, s19;
	s16 =	sadd.s32 @p5 s17, s16;
	s17 =	simm.s32 @p5 $0x0  }
0x46: {  	[hbm4b:s16+s17] =	stream.linear.scatter @p5 [tilespmem:s24], [sflag:s19], $0x2800, $0x200038;
	[tilespmem:$0x5100] =	vst v63  }
0x47: {  	p1 =	por !p4, !p4;
	_ =	strace @p5 $0x9000004C  }
0x48: {  	s14 =	sadd.s32 @p1 s4, s14;
	s17 =	sadd.s32 @!p0 $0x3, s20;
	_ =	strace @!p0 $0x8000004D  }
0x49: {  	s13 =	sand.u32 @p1 $0x1, s13;
	s14 =	sshll.u32 @p1 s14, $0x4;
	_ =	swait.ge @!p0 [sflag:s17], $0x2800  }
0x4a: {  	s14 =	sand.u32 @p1 $0x1FFFFFF0, s14;
	s16 =	simm.s32 $0x1;
	[sflag:s17] =	ssyncset.done @!p0 $0x0  }
0x4b: {  	s19 =	sshll.u32 @p1 s13, $0x7;
	s13 =	sadd.s32 @p1 $0x1, s13;
	[sflag:s17] =	ssyncadd.s32 @!p0 $0xFFFFD800  }
0x4c: {  	s14 =	sadd.s32 @p1 s3, s14;
	s16 =	simm.s32 @!p5 $0x0;
	_ =	strace @!p0 $0x9000004D  }
0x4d: {  	s18 =	sadd.s32 s16, s18;
	s17 =	simm.s32 @p1 $0x0;
	_ =	strace @p1 $0x80000049  }
0x4e: {  	[tilespmem:s19], [sflag:s13] =	stream.linear.gather @p1 [hbm4b:s14+s17], $0x80, $0x200038;
	[tilespmem:$0x5100] =	vst v63  }
0x4f: {  	s25 =	sand.u32 $0x1, s18;
	_ =	strace @p1 $0x90000049  }
0x50: {  	s13 =	sadd.s32 $0x1, s25;
	_ =	strace $0x8000004A  }
0x51: {  	_ =	swait.ge [sflag:s13], $0x80  }
0x52: {  	s26 =	sadd.s32 s16, s15;
	[sflag:s13] =	ssyncset.done $0x0  }
0x53: {  	[sflag:s13] =	ssyncadd.s32 $0xFFFFFF80;
	s13 =	sand.u32 $0x1, s26  }
0x54: {  	_ =	strace $0x9000004A;
	s28 =	smul.u32 $0xA000, s13  }
0x55: {  	_ =	strace $0x8000004B  }
0x56: {  	s31 =	sshll.u32 s18, $0x7;
	s29 =	rddreg [dreg:$0x4];
	s14 =	sshrl.u32 s28, $0x2  }
0x57: {  	s17 =	sand.u32 $0x80, s31;
	s30 =	rddreg [dreg:$0x5];
	s14 =	sor.u32 $0x100, s14  }
0x58: {  	[tilespmem:s14], [sflag:$0x5] =	stream.indirect.gather [hbm4b:s29+s30], $0x80, s17, s30, $0x2000b8;
	[tilespmem:$0x5100] =	vst v63  }
0x59: {  	_ =	swait.ge [sflag:s8], $0x2800  }
0x5a: {  	p6 =	seq.s32 s10, $0x1;
	p5 =	por p2, p2;
	[sflag:s8] =	ssyncset.done $0x0  }
0x5b: {  	p0 =	por p6, p5;
	[sflag:s8] =	ssyncadd.s32 $0xFFFFD800  }
0x5c: {  	s11 =	smul.u32 @p0 $0x2800, s11;
	_ =	strace $0x9000004B  }
0x5d: {  	s12 =	sadd.s32 s21, s12;
	_ =	strace @p0 $0x8000004C  }
0x5e: {  	p1 =	seq.s32 s10, $0xFA;
	s11 =	sshrl.u32 @p0 s11, $0x3;
	s15 =	rddreg [dreg:$0x6]  }
0x5f: {  	s13 =	sadd.s32 @p0 $0x3, s13;
	s11 =	sadd.s32 @p0 s15, s11;
	s15 =	simm.s32 @p0 $0x0  }
0x60: {  	[hbm4b:s11+s15] =	stream.linear.scatter @p0 [tilespmem:s14], [sflag:s13], $0x2800, $0x200038;
	[tilespmem:$0x5100] =	vst v63  }
0x61: {  	s11 =	sand.u32 @!p1 $0x1, s12;
	p1 =	por p1, p1;
	_ =	strace @p0 $0x9000004C  }
0x62: {  	s11 =	sadd.s32 @!p1 $0x3, s11;
	_ =	strace @!p1 $0x8000004D  }
0x63: {  	p0 =	sne.s32 s10, $0xFA;
	s10 =	simm.s32 $0x1;
	_ =	swait.ge @!p1 [sflag:s11], $0x2800  }
0x64: {  	s10 =	simm.s32 @!p0 $0x0;
	[sflag:s11] =	ssyncset.done @!p1 $0x0  }
0x65: {  	s9 =	sadd.s32 $0x1, s9;
	s10 =	sadd.s32 s10, s12;
	[sflag:s11] =	ssyncadd.s32 @!p1 $0xFFFFD800  }
0x66: {  	p0 =	sne.s32 s9, s6;
	s10 =	sand.u32 $0x1, s10;
	_ =	strace @!p1 $0x9000004D  }
.Ltmp1:
0x67: {  	s10 =	sadd.s32 $0x3, s10;
	_ =	strace $0x8000004E;
	(pc) =	sbr.rel @p0 .LBB2_1-.Ltmp1, $4  }
0x68: {  	_ =	swait.ge [sflag:s10], $0x2800  }
0x69: {  	[sflag:s10] =	ssyncset.done $0x0  }
0x6a: {  	[sflag:s10] =	ssyncadd.s32 $0xFFFFD800  }
0x6b: {  	_ =	strace $0x9000004E  }
0x6c: {  	_ =	sfence.sel $0x180000  }
0x6d: {  	[bflag:$0x0] =	sbarrier.arrive $0xFFFF  }
0x6e: {  	p0 =	sne.s32 s0, $0x0;
	_ =	strace $0x90000047  }
0x6f: {  	s0 =	sadd.s32 @!p0 $0x100000, s1;
	[bflag:$0x2] =	sbarrier.arrive $0xFFFF  }
0x70: {  	[sflag:s0] =	ssyncadd.tile.s32 @!p0 $0x1;
	_ =	shalt  }
.Lfunc_end2:
_tile_overlayer_lowered:
.L_overlay_start_2:
0x71: {  	(tag) =	ssettag $0x2  }
0x72: {  	s0 =	rddreg [dreg:$0x0];
	s2 =	stileid.u32  }
0x73: {  	s1 =	rddreg [dreg:$0x1];
	p0 =	sne.s32 s2, $0x0  }
0x74: {  	s3 =	rddreg [dreg:$0x2];
	[bflag:$0x3] =	sbarrier.arrive $0xFFFF;
	s2 =	simm.s32 @!p0 $0x1C01  }
0x75: {  	[timem:s3], [sflag:s2] =	dma.local @!p0 [hbm:s0], s1  }
0x76: {  	s0 =	simm.s32 @!p0 $0x1  }
0x77: {  	_ =	swait.ge @!p0 [sflag:s0], s1  }
0x78: {  	s1 =	ssub.s32 @!p0 $0x0, s1;
	[sflag:s0] =	ssyncset.done @!p0 $0x0  }
0x79: {  	[sflag:s0] =	ssyncadd.s32 @!p0 s1  }
0x7a: {  	[bflag:$0x3] =	sbarrier.arrive $0xFFFF  }
0x7b: {  	_ =	shalt  }

</sc_bundles>
